<compile_context>
chip_gen: v7x
topology: tpu7x:2x2x1
jax: 0.10.2.dev20260603
libtpu: 0.0.44.dev20260713+nightly
codegen_flags: <defaults>
</compile_context>

<pallas_src>
import functools

import jax
import jax.numpy as jnp
from jax import lax
from jax.experimental import pallas as pl
from jax.experimental.pallas import tpu as pltpu
from jax.experimental.pallas import tpu_sc as plsc

_TK = 4096

_NC = 2
_NS = 16
_NW = _NC * _NS


def _scan_body(x_ref, g_ref, idx_ref, m_ref):
    t = pl.program_id(0)
    x = x_ref[...]
    half = _TK // 4
    maxes = []
    args = []
    for h in range(4):
        g = g_ref[pl.ds(h * half, half), :]
        s = jax.lax.dot_general(
            x, g, (((1,), (1,)), ((), ())),
            preferred_element_type=jnp.float32)
        local_max = jnp.max(s, axis=1, keepdims=True)
        lanes = jax.lax.broadcasted_iota(
            jnp.int32, s.shape, 1).astype(jnp.float32)
        big = jnp.float32(3e9)
        li = jnp.min(jnp.where(s == local_max, lanes, big),
                     axis=1, keepdims=True).astype(jnp.int32)
        maxes.append(local_max)
        args.append(li + (t * _TK + h * half))
    local_max, local_arg = maxes[0], args[0]
    for h in range(1, 4):
        hb = maxes[h] > local_max
        local_max = jnp.where(hb, maxes[h], local_max)
        local_arg = jnp.where(hb, args[h], local_arg)

    @pl.when(t == 0)
    def _init():
        m_ref[...] = local_max
        idx_ref[...] = local_arg

    @pl.when(t > 0)
    def _update():
        better = local_max > m_ref[...]
        m_ref[...] = jnp.where(better, local_max, m_ref[...])
        idx_ref[...] = jnp.where(better, local_arg, idx_ref[...])


def _argmax_scan(Xa, Ga):
    B, K = Xa.shape
    T = Ga.shape[0] // _TK
    idx = pl.pallas_call(
        _scan_body,
        grid=(T,),
        in_specs=[
            pl.BlockSpec((B, K), lambda t: (0, 0)),
            pl.BlockSpec((_TK, K), lambda t: (t, 0)),
        ],
        out_specs=pl.BlockSpec((B, 1), lambda t: (0, 0)),
        out_shape=jax.ShapeDtypeStruct((B, 1), jnp.int32),
        scratch_shapes=[pltpu.VMEM((B, 1), jnp.float32)],
    )(Xa, Ga)
    return idx.reshape(B)


def _make_sc_gather(B, D):
    rows_per_w = B // _NW
    cw_per_row = 128 // D
    mesh = plsc.VectorSubcoreMesh(core_axis_name="c", subcore_axis_name="s")

    @functools.partial(
        pl.kernel,
        mesh=mesh,
        compiler_params=pltpu.CompilerParams(needs_layout_passes=False),
        out_type=jax.ShapeDtypeStruct((B * D,), jnp.float32),
        scratch_types=[
            pltpu.VMEM((rows_per_w,), jnp.int32),
            pltpu.VMEM((rows_per_w,), jnp.int32),
            pltpu.VMEM((rows_per_w, 128), jnp.float32),
            pltpu.VMEM((rows_per_w * D,), jnp.float32),
            pltpu.SemaphoreType.DMA,
        ],
    )
    def gather(grid_hbm, idx_hbm, out_hbm, idx_v, ridx_v, rows_v, out_v, sem):
        wid = lax.axis_index("s") * _NC + lax.axis_index("c")
        base = wid * rows_per_w
        pltpu.sync_copy(idx_hbm.at[pl.ds(base, rows_per_w)], idx_v)
        cw_shift = cw_per_row.bit_length() - 1
        d_shift = D.bit_length() - 1
        for c in range(rows_per_w // 16):
            ridx_v[pl.ds(c * 16, 16)] = idx_v[pl.ds(c * 16, 16)] >> cw_shift
        pltpu.async_copy(grid_hbm.at[ridx_v], rows_v, sem).wait()

        def extract(j, carry):
            pos = j * 16 + lax.iota(jnp.int32, 16)
            rloc = pos >> d_shift
            ig = plsc.load_gather(idx_v, [rloc])
            col = ((ig & (cw_per_row - 1)) << d_shift) + (pos & (D - 1))
            out_v[pl.ds(j * 16, 16)] = plsc.load_gather(rows_v, [rloc, col])
            return carry

        lax.fori_loop(0, rows_per_w * D // 16, extract, 0)
        pltpu.sync_copy(out_v, out_hbm.at[pl.ds(base * D, rows_per_w * D)])

    return gather


def kernel(X, grid, grid_norm):
    B, D = X.shape
    Xa = jnp.concatenate(
        [X + X, jnp.full((B, 1), -1.0, jnp.float32)], axis=1)
    Ga = jnp.concatenate([grid, grid_norm[:, None]], axis=1)
    idx = _argmax_scan(Xa, Ga)
    vals = _make_sc_gather(B, D)(grid.reshape(-1, 128), idx)
    return vals.reshape(B, D), idx

# --- scband reference (transcript-rebuilt; emitter-appended) ---
"""Pipeline reference for scband-e8-p12-codebook-63874753626531 (READ-ONLY COPY).

The authoritative reference and input builder live on the scoring server;
editing this copy changes nothing except your own understanding.
"""

import jax, jax.numpy as jnp
import numpy as np

_NORM12 = np.array([[3,1,1,1,3,3,3,3],[1,3,1,1,3,3,3,3],[1,1,3,1,3,3,3,3],[1,1,1,3,3,3,3,3],[3,3,3,1,3,3,1,1],[3,3,3,1,3,1,3,1],[3,3,3,1,1,3,3,1],[3,3,3,1,3,1,1,3],[3,3,3,1,1,3,1,3],[3,3,3,1,1,1,3,3],[3,3,1,3,3,3,1,1],[3,3,1,3,3,1,3,1],[3,3,1,3,1,3,3,1],[3,3,1,3,3,1,1,3],[3,3,1,3,1,3,1,3],[3,3,1,3,1,1,3,3],[3,1,3,3,3,3,1,1],[3,1,3,3,3,1,3,1],[3,1,3,3,1,3,3,1],[3,1,3,3,3,1,1,3],[3,1,3,3,1,3,1,3],[1,3,3,3,1,1,3,3],[1,3,3,3,3,3,1,1],[1,3,3,3,3,1,3,1],[1,3,3,3,1,3,3,1],[1,3,3,3,3,1,1,3],[1,3,3,3,1,3,1,3],[1,1,3,3,1,3,3,3],[3,3,1,1,3,3,3,1]], dtype=np.float64) / 2.0

def _packed_abs_grid():
    # abs entries of even-parity half-integer D8 vectors with norm^2 <= 10 (227 rows)
    vals = np.array([0.5, 1.5, 2.5, 3.5])
    idx = np.indices((4,) * 8).reshape(8, -1).T
    d8abs = vals[idx]
    d8abs = d8abs[(d8abs ** 2).sum(-1) <= 10.0]
    d8abs = np.unique(d8abs, axis=0)
    cba = np.concatenate([d8abs, _NORM12], axis=0)  # 256 x 8
    cba = cba[:, [0, 2, 4, 6, 1, 3, 5, 7]]
    par = np.round(cba.sum(1)).astype(np.int64) % 2
    cba[:, 7] = cba[:, 7] * (1 - 2 * par)
    cba = np.round(cba * 2 + 8).astype(np.int64)
    acc = cba[:, 0].copy()
    for i in range(7):
        acc = acc | (cba[:, i + 1] << ((i + 1) * 4))
    return acc  # int64[256], 8 packed nibbles

def _full_grid():
    packed = _packed_abs_grid()
    c = np.arange(1 << 16, dtype=np.int64)
    signs = c & 255
    absi = c >> 8
    parity = np.zeros_like(signs)
    for i in range(8):
        parity ^= (signs >> i) & 1
    signs = signs ^ parity
    abs_code = packed[absi]
    shuffle_map = [0, 4, 1, 5, 2, 6, 3, 7]
    grid = np.zeros((1 << 16, 8), dtype=np.float32)
    for i in range(8):
        ii = shuffle_map[i]
        nib = ((abs_code >> (4 * ii)) & 15).astype(np.float32) - 8.0
        sgn = 1.0 - 2.0 * ((signs >> ii) & 1).astype(np.float32)
        grid[:, i] = nib * sgn
    grid = grid / 2.0 + parity[:, None].astype(np.float32) * 0.25
    return grid  # float32[65536, 8]

def setup_inputs(seed: int = 0) -> dict:
    key = jax.random.key(seed)
    X = jax.random.normal(key, (2048, 8), dtype=jnp.float32)
    grid = jnp.asarray(_full_grid(), dtype=jnp.float32)
    grid_norm = jnp.sum(grid * grid, axis=-1)
    return {"X": X, "grid": grid, "grid_norm": grid_norm}

def reference(X, grid, grid_norm):
    # E8P12_codebook.quantize -> round: nearest codeword by argmax(2 X g^T - |g|^2)
    assert X.shape[-1] == 8
    scores = 2.0 * (X @ grid.T) - grid_norm[None, :]
    Xqidx = jnp.argmax(scores, axis=-1)
    final_vals = jnp.take(grid, Xqidx, axis=0)
    return (final_vals, Xqidx)

if __name__ == "__main__":
    import jax
    _d = setup_inputs()
    print(jax.jit(kernel)(*tuple(_d.values())))

</pallas_src>

<mosaic_0001>
#map = affine_map<(d0, d1) -> (0, 0)>
#map1 = affine_map<(d0, d1) -> (0)>
module attributes {stable_mosaic.version = 14 : i64} {
  func.func @gather(%arg0: i32, %arg1: i32, %arg2: memref<4096x128xf32, #tpu.memory_space<hbm>>, %arg3: memref<2048xi32, #tpu.memory_space<hbm>>, %arg4: memref<16384xf32, #tpu.memory_space<hbm>>, %arg5: memref<64xi32, #tpu.memory_space<vmem>>, %arg6: memref<64xi32, #tpu.memory_space<vmem>>, %arg7: memref<64x128xf32, #tpu.memory_space<vmem>>, %arg8: memref<512xf32, #tpu.memory_space<vmem>>, %arg9: memref<!tpu.dma_semaphore, #tpu.memory_space<semaphore_mem>>) attributes {dimension_semantics = [#tpu.dimension_semantics<core_parallel>, #tpu.dimension_semantics<subcore_parallel>], iteration_bounds = array<i64: 2, 16>, scalar_prefetch = 0 : i64, scratch_operands = 5 : i64, tpu.core_type = #tpu.core_type<sc_vector_subcore>, window_params = [{transform_indices = #map}, {transform_indices = #map1}, {transform_indices = #map1}]} {
    %mul3A = arith.constant 2 : i32
    %mul3A_0 = arith.muli %arg1, %mul3A : i32
    %add3A = arith.addi %mul3A_0, %arg0 : i32
    %mul3A_1 = arith.constant 64 : i32
    %mul3A_2 = arith.muli %add3A, %mul3A_1 : i32
    "tpu.region"() ({
      %run_scoped3A = tpu.sem_alloc : memref<!tpu.dma_semaphore, #tpu.memory_space<semaphore_mem>>
      %dma_start3A_39 = tpu.memref_slice %arg3[%mul3A_2] : memref<2048xi32, #tpu.memory_space<hbm>> -> memref<64xi32, #tpu.memory_space<hbm>>
      %dma_start3A_40 = tpu.memref_slice %arg3[%mul3A_2] : memref<2048xi32, #tpu.memory_space<hbm>> -> memref<64xi32, #tpu.memory_space<hbm>>
      tpu.enqueue_dma source(%dma_start3A_40 : memref<64xi32, #tpu.memory_space<hbm>>) target(%arg5 : memref<64xi32, #tpu.memory_space<vmem>>) target_semaphore(%run_scoped3A : memref<!tpu.dma_semaphore, #tpu.memory_space<semaphore_mem>>)
      %dma_wait3A_41 = tpu.memref_slice %arg3[%mul3A_2] : memref<2048xi32, #tpu.memory_space<hbm>> -> memref<64xi32, #tpu.memory_space<hbm>>
      %dma_wait3A_42 = tpu.memref_slice %arg3[%mul3A_2] : memref<2048xi32, #tpu.memory_space<hbm>> -> memref<64xi32, #tpu.memory_space<hbm>>
      tpu.wait_dma2 semaphore(%run_scoped3A : memref<!tpu.dma_semaphore, #tpu.memory_space<semaphore_mem>>) src(%dma_wait3A_42 : memref<64xi32, #tpu.memory_space<hbm>>) dst(%arg5 : memref<64xi32, #tpu.memory_space<vmem>>)
      tpu.yield
    }) : () -> ()
    %get3A = arith.constant 0 : index
    %get3A_3 = tpu.vector_load %arg5[%get3A] {strides = array<i32>} : memref<64xi32, #tpu.memory_space<vmem>>, vector<16xi32>,
    %shift_right_arithmetic3A = arith.constant 4 : i32
    %shift_right_arithmetic3A_4 = vector.broadcast %shift_right_arithmetic3A : i32 to vector<16xi32>
    %shift_right_arithmetic3A_5 = arith.shrsi %get3A_3, %shift_right_arithmetic3A_4 : vector<16xi32>
    %swap3A = arith.constant 0 : index
    %swap3A_6 = tpu.vector_load %arg6[%swap3A] {strides = array<i32>} : memref<64xi32, #tpu.memory_space<vmem>>, vector<16xi32>,
    tpu.vector_store %arg6[%swap3A], %shift_right_arithmetic3A_5 {strides = array<i32>} : memref<64xi32, #tpu.memory_space<vmem>>, vector<16xi32>,
    %get3A_7 = arith.constant 16 : index
    %get3A_8 = tpu.vector_load %arg5[%get3A_7] {strides = array<i32>} : memref<64xi32, #tpu.memory_space<vmem>>, vector<16xi32>,
    %shift_right_arithmetic3A_9 = arith.constant 4 : i32
    %shift_right_arithmetic3A_10 = vector.broadcast %shift_right_arithmetic3A_9 : i32 to vector<16xi32>
    %shift_right_arithmetic3A_11 = arith.shrsi %get3A_8, %shift_right_arithmetic3A_10 : vector<16xi32>
    %swap3A_12 = arith.constant 16 : index
    %swap3A_13 = tpu.vector_load %arg6[%swap3A_12] {strides = array<i32>} : memref<64xi32, #tpu.memory_space<vmem>>, vector<16xi32>,
    tpu.vector_store %arg6[%swap3A_12], %shift_right_arithmetic3A_11 {strides = array<i32>} : memref<64xi32, #tpu.memory_space<vmem>>, vector<16xi32>,
    %get3A_14 = arith.constant 32 : index
    %get3A_15 = tpu.vector_load %arg5[%get3A_14] {strides = array<i32>} : memref<64xi32, #tpu.memory_space<vmem>>, vector<16xi32>,
    %shift_right_arithmetic3A_16 = arith.constant 4 : i32
    %shift_right_arithmetic3A_17 = vector.broadcast %shift_right_arithmetic3A_16 : i32 to vector<16xi32>
    %shift_right_arithmetic3A_18 = arith.shrsi %get3A_15, %shift_right_arithmetic3A_17 : vector<16xi32>
    %swap3A_19 = arith.constant 32 : index
    %swap3A_20 = tpu.vector_load %arg6[%swap3A_19] {strides = array<i32>} : memref<64xi32, #tpu.memory_space<vmem>>, vector<16xi32>,
    tpu.vector_store %arg6[%swap3A_19], %shift_right_arithmetic3A_18 {strides = array<i32>} : memref<64xi32, #tpu.memory_space<vmem>>, vector<16xi32>,
    %get3A_21 = arith.constant 48 : index
    %get3A_22 = tpu.vector_load %arg5[%get3A_21] {strides = array<i32>} : memref<64xi32, #tpu.memory_space<vmem>>, vector<16xi32>,
    %shift_right_arithmetic3A_23 = arith.constant 4 : i32
    %shift_right_arithmetic3A_24 = vector.broadcast %shift_right_arithmetic3A_23 : i32 to vector<16xi32>
    %shift_right_arithmetic3A_25 = arith.shrsi %get3A_22, %shift_right_arithmetic3A_24 : vector<16xi32>
    %swap3A_26 = arith.constant 48 : index
    %swap3A_27 = tpu.vector_load %arg6[%swap3A_26] {strides = array<i32>} : memref<64xi32, #tpu.memory_space<vmem>>, vector<16xi32>,
    tpu.vector_store %arg6[%swap3A_26], %shift_right_arithmetic3A_25 {strides = array<i32>} : memref<64xi32, #tpu.memory_space<vmem>>, vector<16xi32>,
    %dma_start3A = arith.constant 0 : i32
    %dma_start3A_28 = arith.constant 0 : i32
    %dma_start3A_29 = tpu.memref_slice %arg2[%dma_start3A, %dma_start3A_28] : memref<4096x128xf32, #tpu.memory_space<hbm>> -> memref<4096x128xf32, #tpu.memory_space<hbm>>
    tpu.enqueue_indirect_dma source(%dma_start3A_29 : memref<4096x128xf32, #tpu.memory_space<hbm>>) target(%arg7 : memref<64x128xf32, #tpu.memory_space<vmem>>) offsets(%arg6 : memref<64xi32, #tpu.memory_space<vmem>>) semaphore(%arg9 : memref<!tpu.dma_semaphore, #tpu.memory_space<semaphore_mem>>)
    %dma_wait3A = arith.constant 0 : i32
    %dma_wait3A_30 = arith.constant 0 : i32
    %dma_wait3A_31 = tpu.memref_slice %arg2[%dma_wait3A, %dma_wait3A_30] : memref<4096x128xf32, #tpu.memory_space<hbm>> -> memref<4096x128xf32, #tpu.memory_space<hbm>>
    tpu.wait_indirect_dma semaphore(%arg9 : memref<!tpu.dma_semaphore, #tpu.memory_space<semaphore_mem>>) src(%dma_wait3A_31 : memref<4096x128xf32, #tpu.memory_space<hbm>>) dst(%arg7 : memref<64x128xf32, #tpu.memory_space<vmem>>)
    %scan3A = arith.constant 0 : i32
    %scan3A_32 = arith.constant 0 : i32
    %scan3A_33 = arith.constant 32 : i32
    %scan3A_34 = arith.addi %scan3A_32, %scan3A_33 : i32
    %scan3A_35 = arith.constant 1 : i32
    scf.for %scan3A_39 = %scan3A_32 to %scan3A_34 step %scan3A_35  : i32 {
      %mul3A_40 = arith.constant 16 : i32
      %mul3A_41 = arith.muli %scan3A_39, %mul3A_40 : i32
      %iota3A = tpu.iota {dimensions = array<i32: 0>} : vector<16xi32>
      %add3A_42 = vector.broadcast %mul3A_41 : i32 to vector<16xi32>
      %add3A_43 = arith.addi %add3A_42, %iota3A : vector<16xi32>
      %shift_right_arithmetic3A_44 = arith.constant 3 : i32
      %shift_right_arithmetic3A_45 = vector.broadcast %shift_right_arithmetic3A_44 : i32 to vector<16xi32>
      %shift_right_arithmetic3A_46 = arith.shrsi %add3A_43, %shift_right_arithmetic3A_45 : vector<16xi32>
      %gather3A = tpu.vector_load_idx %arg5[%shift_right_arithmetic3A_46] : memref<64xi32, #tpu.memory_space<vmem>>[vector<16xi32>], vector<16xi32>,
      %and3A = arith.constant 15 : i32
      %and3A_47 = vector.broadcast %and3A : i32 to vector<16xi32>
      %and3A_48 = arith.andi %gather3A, %and3A_47 : vector<16xi32>
      %shift_left3A = arith.constant 3 : i32
      %shift_left3A_49 = vector.broadcast %shift_left3A : i32 to vector<16xi32>
      %shift_left3A_50 = arith.shli %and3A_48, %shift_left3A_49 : vector<16xi32>
      %and3A_51 = arith.constant 7 : i32
      %and3A_52 = vector.broadcast %and3A_51 : i32 to vector<16xi32>
      %and3A_53 = arith.andi %add3A_43, %and3A_52 : vector<16xi32>
      %add3A_54 = arith.addi %shift_left3A_50, %and3A_53 : vector<16xi32>
      %gather3A_55 = tpu.vector_load_idx %arg7[%shift_right_arithmetic3A_46, %add3A_54] : memref<64x128xf32, #tpu.memory_space<vmem>>[vector<16xi32>, vector<16xi32>], vector<16xf32>,
      %mul3A_56 = arith.constant 16 : i32
      %mul3A_57 = arith.muli %scan3A_39, %mul3A_56 : i32
      %swap3A_58 = arith.index_cast %mul3A_57 : i32 to index
      %swap3A_59 = tpu.vector_load %arg8[%swap3A_58] {strides = array<i32>} : memref<512xf32, #tpu.memory_space<vmem>>, vector<16xf32>,
      tpu.vector_store %arg8[%swap3A_58], %gather3A_55 {strides = array<i32>} : memref<512xf32, #tpu.memory_space<vmem>>, vector<16xf32>,
    }
    %scan3A_36 = arith.constant 32 : i32
    %mul3A_37 = arith.constant 8 : i32
    %mul3A_38 = arith.muli %mul3A_2, %mul3A_37 : i32
    "tpu.region"() ({
      %run_scoped3A = tpu.sem_alloc : memref<!tpu.dma_semaphore, #tpu.memory_space<semaphore_mem>>
      %dma_start3A_39 = tpu.memref_slice %arg4[%mul3A_38] : memref<16384xf32, #tpu.memory_space<hbm>> -> memref<512xf32, #tpu.memory_space<hbm>>
      %dma_start3A_40 = tpu.memref_slice %arg4[%mul3A_38] : memref<16384xf32, #tpu.memory_space<hbm>> -> memref<512xf32, #tpu.memory_space<hbm>>
      tpu.enqueue_dma source(%arg8 : memref<512xf32, #tpu.memory_space<vmem>>) target(%dma_start3A_40 : memref<512xf32, #tpu.memory_space<hbm>>) target_semaphore(%run_scoped3A : memref<!tpu.dma_semaphore, #tpu.memory_space<semaphore_mem>>)
      %dma_wait3A_41 = tpu.memref_slice %arg4[%mul3A_38] : memref<16384xf32, #tpu.memory_space<hbm>> -> memref<512xf32, #tpu.memory_space<hbm>>
      %dma_wait3A_42 = tpu.memref_slice %arg4[%mul3A_38] : memref<16384xf32, #tpu.memory_space<hbm>> -> memref<512xf32, #tpu.memory_space<hbm>>
      tpu.wait_dma2 semaphore(%run_scoped3A : memref<!tpu.dma_semaphore, #tpu.memory_space<semaphore_mem>>) src(%arg8 : memref<512xf32, #tpu.memory_space<vmem>>) dst(%dma_wait3A_42 : memref<512xf32, #tpu.memory_space<hbm>>)
      tpu.yield
    }) : () -> ()
    return
  }
}

module attributes {stable_mosaic.version = 14 : i64} {
  func.func @_scan_body(%arg0: i32, %arg1: memref<2048x9xf32, #tpu.memory_space<vmem>>, %arg2: memref<4096x9xf32, #tpu.memory_space<vmem>>, %arg3: memref<2048x1xi32, #tpu.memory_space<vmem>>, %arg4: memref<2048x1xf32, #tpu.memory_space<vmem>>) attributes {dimension_semantics = [#tpu.dimension_semantics<arbitrary>], iteration_bounds = array<i64: 16>, scalar_prefetch = 0 : i64, scratch_operands = 1 : i64, tpu.core_type = #tpu.core_type<tc>, window_params = [{pipeline_mode = #tpu.pipeline_mode<synchronous>, transform_indices = @transform_0, window_bounds = array<i64: 2048, 9>}, {transform_indices = @transform_1, window_bounds = array<i64: 4096, 9>}, {pipeline_mode = #tpu.pipeline_mode<synchronous>, transform_indices = @transform_2, window_bounds = array<i64: 2048, 1>}]} {
    %get3A = arith.constant 0 : index
    %get3A_0 = arith.constant 0 : index
    %get3A_1 = vector.load %arg1[%get3A, %get3A_0] : memref<2048x9xf32, #tpu.memory_space<vmem>>, vector<2048x9xf32>
    %get3A_2 = arith.constant 0 : index
    %get3A_3 = arith.constant 0 : index
    %get3A_4 = vector.load %arg2[%get3A_2, %get3A_3] : memref<4096x9xf32, #tpu.memory_space<vmem>>, vector<1024x9xf32>
    %dot_general3A = arith.constant dense<0.000000e+00> : vector<2048x1024xf32>
    %dot_general3A_5 = tpu.matmul %get3A_1, %get3A_4, %dot_general3A {dimension_numbers = #tpu.dot_dimension_numbers<[1], [1], [0], [0], [0, 0, 1, 0], [], []>, transpose_lhs_hint = false} : vector<2048x9xf32>, vector<1024x9xf32>, vector<2048x1024xf32> -> vector<2048x1024xf32>
    %reduce_max3A = arith.constant dense<0xFF800000> : vector<2048xf32>
    %reduce_max3A_6 = vector.multi_reduction <maximumf>, %dot_general3A_5, %reduce_max3A [1] : vector<2048x1024xf32> to vector<2048xf32>
    %broadcast_in_dim3A = vector.shape_cast %reduce_max3A_6 : vector<2048xf32> to vector<2048x1xf32>
    %iota3A = tpu.iota {dimensions = array<i32: 1>} : vector<2048x1024xi32>
    %convert_element_type3A = arith.sitofp %iota3A : vector<2048x1024xi32> to vector<2048x1024xf32>
    %eq3A = vector.broadcast %broadcast_in_dim3A : vector<2048x1xf32> to vector<2048x1024xf32>
    %eq3A_7 = arith.cmpf oeq, %dot_general3A_5, %eq3A : vector<2048x1024xf32>
    %jit3A = arith.constant 3.000000e+09 : f32
    %broadcast_in_dim3A_8 = vector.broadcast %jit3A : f32 to vector<2048x1024xf32>
    %select_n3A = arith.select %eq3A_7, %convert_element_type3A, %broadcast_in_dim3A_8 : vector<2048x1024xi1>, vector<2048x1024xf32>
    %reduce_min3A = arith.constant dense<0x7F800000> : vector<2048xf32>
    %reduce_min3A_9 = vector.multi_reduction <minimumf>, %select_n3A, %reduce_min3A [1] : vector<2048x1024xf32> to vector<2048xf32>
    %broadcast_in_dim3A_10 = vector.shape_cast %reduce_min3A_9 : vector<2048xf32> to vector<2048x1xf32>
    %convert_element_type3A_11 = arith.fptosi %broadcast_in_dim3A_10 : vector<2048x1xf32> to vector<2048x1xi32>
    %mul3A = arith.constant 4096 : i32
    %mul3A_12 = arith.muli %arg0, %mul3A : i32
    %add3A = arith.constant 0 : i32
    %add3A_13 = arith.addi %mul3A_12, %add3A : i32
    %add3A_14 = vector.broadcast %add3A_13 : i32 to vector<2048x1xi32>
    %add3A_15 = arith.addi %convert_element_type3A_11, %add3A_14 : vector<2048x1xi32>
    %get3A_16 = arith.constant 1024 : index
    %get3A_17 = arith.constant 0 : index
    %get3A_18 = vector.load %arg2[%get3A_16, %get3A_17] : memref<4096x9xf32, #tpu.memory_space<vmem>>, vector<1024x9xf32>
    %dot_general3A_19 = arith.constant dense<0.000000e+00> : vector<2048x1024xf32>
    %dot_general3A_20 = tpu.matmul %get3A_1, %get3A_18, %dot_general3A_19 {dimension_numbers = #tpu.dot_dimension_numbers<[1], [1], [0], [0], [0, 0, 1, 0], [], []>, transpose_lhs_hint = false} : vector<2048x9xf32>, vector<1024x9xf32>, vector<2048x1024xf32> -> vector<2048x1024xf32>
    %reduce_max3A_21 = arith.constant dense<0xFF800000> : vector<2048xf32>
    %reduce_max3A_22 = vector.multi_reduction <maximumf>, %dot_general3A_20, %reduce_max3A_21 [1] : vector<2048x1024xf32> to vector<2048xf32>
    %broadcast_in_dim3A_23 = vector.shape_cast %reduce_max3A_22 : vector<2048xf32> to vector<2048x1xf32>
    %iota3A_24 = tpu.iota {dimensions = array<i32: 1>} : vector<2048x1024xi32>
    %convert_element_type3A_25 = arith.sitofp %iota3A_24 : vector<2048x1024xi32> to vector<2048x1024xf32>
    %eq3A_26 = vector.broadcast %broadcast_in_dim3A_23 : vector<2048x1xf32> to vector<2048x1024xf32>
    %eq3A_27 = arith.cmpf oeq, %dot_general3A_20, %eq3A_26 : vector<2048x1024xf32>
    %jit3A_28 = arith.constant 3.000000e+09 : f32
    %broadcast_in_dim3A_29 = vector.broadcast %jit3A_28 : f32 to vector<2048x1024xf32>
    %select_n3A_30 = arith.select %eq3A_27, %convert_element_type3A_25, %broadcast_in_dim3A_29 : vector<2048x1024xi1>, vector<2048x1024xf32>
    %reduce_min3A_31 = arith.constant dense<0x7F800000> : vector<2048xf32>
    %reduce_min3A_32 = vector.multi_reduction <minimumf>, %select_n3A_30, %reduce_min3A_31 [1] : vector<2048x1024xf32> to vector<2048xf32>
    %broadcast_in_dim3A_33 = vector.shape_cast %reduce_min3A_32 : vector<2048xf32> to vector<2048x1xf32>
    %convert_element_type3A_34 = arith.fptosi %broadcast_in_dim3A_33 : vector<2048x1xf32> to vector<2048x1xi32>
    %mul3A_35 = arith.constant 4096 : i32
    %mul3A_36 = arith.muli %arg0, %mul3A_35 : i32
    %add3A_37 = arith.constant 1024 : i32
    %add3A_38 = arith.addi %mul3A_36, %add3A_37 : i32
    %add3A_39 = vector.broadcast %add3A_38 : i32 to vector<2048x1xi32>
    %add3A_40 = arith.addi %convert_element_type3A_34, %add3A_39 : vector<2048x1xi32>
    %get3A_41 = arith.constant 2048 : index
    %get3A_42 = arith.constant 0 : index
    %get3A_43 = vector.load %arg2[%get3A_41, %get3A_42] : memref<4096x9xf32, #tpu.memory_space<vmem>>, vector<1024x9xf32>
    %dot_general3A_44 = arith.constant dense<0.000000e+00> : vector<2048x1024xf32>
    %dot_general3A_45 = tpu.matmul %get3A_1, %get3A_43, %dot_general3A_44 {dimension_numbers = #tpu.dot_dimension_numbers<[1], [1], [0], [0], [0, 0, 1, 0], [], []>, transpose_lhs_hint = false} : vector<2048x9xf32>, vector<1024x9xf32>, vector<2048x1024xf32> -> vector<2048x1024xf32>
    %reduce_max3A_46 = arith.constant dense<0xFF800000> : vector<2048xf32>
    %reduce_max3A_47 = vector.multi_reduction <maximumf>, %dot_general3A_45, %reduce_max3A_46 [1] : vector<2048x1024xf32> to vector<2048xf32>
    %broadcast_in_dim3A_48 = vector.shape_cast %reduce_max3A_47 : vector<2048xf32> to vector<2048x1xf32>
    %iota3A_49 = tpu.iota {dimensions = array<i32: 1>} : vector<2048x1024xi32>
    %convert_element_type3A_50 = arith.sitofp %iota3A_49 : vector<2048x1024xi32> to vector<2048x1024xf32>
    %eq3A_51 = vector.broadcast %broadcast_in_dim3A_48 : vector<2048x1xf32> to vector<2048x1024xf32>
    %eq3A_52 = arith.cmpf oeq, %dot_general3A_45, %eq3A_51 : vector<2048x1024xf32>
    %jit3A_53 = arith.constant 3.000000e+09 : f32
    %broadcast_in_dim3A_54 = vector.broadcast %jit3A_53 : f32 to vector<2048x1024xf32>
    %select_n3A_55 = arith.select %eq3A_52, %convert_element_type3A_50, %broadcast_in_dim3A_54 : vector<2048x1024xi1>, vector<2048x1024xf32>
    %reduce_min3A_56 = arith.constant dense<0x7F800000> : vector<2048xf32>
    %reduce_min3A_57 = vector.multi_reduction <minimumf>, %select_n3A_55, %reduce_min3A_56 [1] : vector<2048x1024xf32> to vector<2048xf32>
    %broadcast_in_dim3A_58 = vector.shape_cast %reduce_min3A_57 : vector<2048xf32> to vector<2048x1xf32>
    %convert_element_type3A_59 = arith.fptosi %broadcast_in_dim3A_58 : vector<2048x1xf32> to vector<2048x1xi32>
    %mul3A_60 = arith.constant 4096 : i32
    %mul3A_61 = arith.muli %arg0, %mul3A_60 : i32
    %add3A_62 = arith.constant 2048 : i32
    %add3A_63 = arith.addi %mul3A_61, %add3A_62 : i32
    %add3A_64 = vector.broadcast %add3A_63 : i32 to vector<2048x1xi32>
    %add3A_65 = arith.addi %convert_element_type3A_59, %add3A_64 : vector<2048x1xi32>
    %get3A_66 = arith.constant 3072 : index
    %get3A_67 = arith.constant 0 : index
    %get3A_68 = vector.load %arg2[%get3A_66, %get3A_67] : memref<4096x9xf32, #tpu.memory_space<vmem>>, vector<1024x9xf32>
    %dot_general3A_69 = arith.constant dense<0.000000e+00> : vector<2048x1024xf32>
    %dot_general3A_70 = tpu.matmul %get3A_1, %get3A_68, %dot_general3A_69 {dimension_numbers = #tpu.dot_dimension_numbers<[1], [1], [0], [0], [0, 0, 1, 0], [], []>, transpose_lhs_hint = false} : vector<2048x9xf32>, vector<1024x9xf32>, vector<2048x1024xf32> -> vector<2048x1024xf32>
    %reduce_max3A_71 = arith.constant dense<0xFF800000> : vector<2048xf32>
    %reduce_max3A_72 = vector.multi_reduction <maximumf>, %dot_general3A_70, %reduce_max3A_71 [1] : vector<2048x1024xf32> to vector<2048xf32>
    %broadcast_in_dim3A_73 = vector.shape_cast %reduce_max3A_72 : vector<2048xf32> to vector<2048x1xf32>
    %iota3A_74 = tpu.iota {dimensions = array<i32: 1>} : vector<2048x1024xi32>
    %convert_element_type3A_75 = arith.sitofp %iota3A_74 : vector<2048x1024xi32> to vector<2048x1024xf32>
    %eq3A_76 = vector.broadcast %broadcast_in_dim3A_73 : vector<2048x1xf32> to vector<2048x1024xf32>
    %eq3A_77 = arith.cmpf oeq, %dot_general3A_70, %eq3A_76 : vector<2048x1024xf32>
    %jit3A_78 = arith.constant 3.000000e+09 : f32
    %broadcast_in_dim3A_79 = vector.broadcast %jit3A_78 : f32 to vector<2048x1024xf32>
    %select_n3A_80 = arith.select %eq3A_77, %convert_element_type3A_75, %broadcast_in_dim3A_79 : vector<2048x1024xi1>, vector<2048x1024xf32>
    %reduce_min3A_81 = arith.constant dense<0x7F800000> : vector<2048xf32>
    %reduce_min3A_82 = vector.multi_reduction <minimumf>, %select_n3A_80, %reduce_min3A_81 [1] : vector<2048x1024xf32> to vector<2048xf32>
    %broadcast_in_dim3A_83 = vector.shape_cast %reduce_min3A_82 : vector<2048xf32> to vector<2048x1xf32>
    %convert_element_type3A_84 = arith.fptosi %broadcast_in_dim3A_83 : vector<2048x1xf32> to vector<2048x1xi32>
    %mul3A_85 = arith.constant 4096 : i32
    %mul3A_86 = arith.muli %arg0, %mul3A_85 : i32
    %add3A_87 = arith.constant 3072 : i32
    %add3A_88 = arith.addi %mul3A_86, %add3A_87 : i32
    %add3A_89 = vector.broadcast %add3A_88 : i32 to vector<2048x1xi32>
    %add3A_90 = arith.addi %convert_element_type3A_84, %add3A_89 : vector<2048x1xi32>
    %gt3A = arith.cmpf ogt, %broadcast_in_dim3A_23, %broadcast_in_dim3A : vector<2048x1xf32>
    %select_n3A_91 = arith.select %gt3A, %broadcast_in_dim3A_23, %broadcast_in_dim3A : vector<2048x1xi1>, vector<2048x1xf32>
    %select_n3A_92 = arith.select %gt3A, %add3A_40, %add3A_15 : vector<2048x1xi1>, vector<2048x1xi32>
    %gt3A_93 = arith.cmpf ogt, %broadcast_in_dim3A_48, %select_n3A_91 : vector<2048x1xf32>
    %select_n3A_94 = arith.select %gt3A_93, %broadcast_in_dim3A_48, %select_n3A_91 : vector<2048x1xi1>, vector<2048x1xf32>
    %select_n3A_95 = arith.select %gt3A_93, %add3A_65, %select_n3A_92 : vector<2048x1xi1>, vector<2048x1xi32>
    %gt3A_96 = arith.cmpf ogt, %broadcast_in_dim3A_73, %select_n3A_94 : vector<2048x1xf32>
    %select_n3A_97 = arith.select %gt3A_96, %broadcast_in_dim3A_73, %select_n3A_94 : vector<2048x1xi1>, vector<2048x1xf32>
    %select_n3A_98 = arith.select %gt3A_96, %add3A_90, %select_n3A_95 : vector<2048x1xi1>, vector<2048x1xi32>
    %eq3A_99 = arith.constant 0 : i32
    %eq3A_100 = arith.cmpi eq, %arg0, %eq3A_99 : i32
    %convert_element_type3A_101 = arith.extui %eq3A_100 : i1 to i32
    %cond3A = arith.constant 0 : i32
    %cond3A_102 = arith.cmpi ne, %convert_element_type3A_101, %cond3A : i32
    scf.if %cond3A_102 {
      %swap3A = arith.constant 0 : index
      %swap3A_108 = arith.constant 0 : index
      %swap3A_109 = vector.load %arg4[%swap3A, %swap3A_108] : memref<2048x1xf32, #tpu.memory_space<vmem>>, vector<2048x1xf32>
      tpu.vector_store %arg4[%swap3A, %swap3A_108], %select_n3A_97 {strides = array<i32>} : memref<2048x1xf32, #tpu.memory_space<vmem>>, vector<2048x1xf32>,
      %swap3A_110 = arith.constant 0 : index
      %swap3A_111 = arith.constant 0 : index
      %swap3A_112 = vector.load %arg3[%swap3A_110, %swap3A_111] : memref<2048x1xi32, #tpu.memory_space<vmem>>, vector<2048x1xi32>
      tpu.vector_store %arg3[%swap3A_110, %swap3A_111], %select_n3A_98 {strides = array<i32>} : memref<2048x1xi32, #tpu.memory_space<vmem>>, vector<2048x1xi32>,
    } else {
    }
    %gt3A_103 = arith.constant 0 : i32
    %gt3A_104 = arith.cmpi sgt, %arg0, %gt3A_103 : i32
    %convert_element_type3A_105 = arith.extui %gt3A_104 : i1 to i32
    %cond3A_106 = arith.constant 0 : i32
    %cond3A_107 = arith.cmpi ne, %convert_element_type3A_105, %cond3A_106 : i32
    scf.if %cond3A_107 {
      %get3A_108 = arith.constant 0 : index
      %get3A_109 = arith.constant 0 : index
      %get3A_110 = vector.load %arg4[%get3A_108, %get3A_109] : memref<2048x1xf32, #tpu.memory_space<vmem>>, vector<2048x1xf32>
      %gt3A_111 = arith.cmpf ogt, %select_n3A_97, %get3A_110 : vector<2048x1xf32>
      %get3A_112 = arith.constant 0 : index
      %get3A_113 = arith.constant 0 : index
      %get3A_114 = vector.load %arg4[%get3A_112, %get3A_113] : memref<2048x1xf32, #tpu.memory_space<vmem>>, vector<2048x1xf32>
      %select_n3A_115 = arith.select %gt3A_111, %select_n3A_97, %get3A_114 : vector<2048x1xi1>, vector<2048x1xf32>
      %swap3A = arith.constant 0 : index
      %swap3A_116 = arith.constant 0 : index
      %swap3A_117 = vector.load %arg4[%swap3A, %swap3A_116] : memref<2048x1xf32, #tpu.memory_space<vmem>>, vector<2048x1xf32>
      tpu.vector_store %arg4[%swap3A, %swap3A_116], %select_n3A_115 {strides = array<i32>} : memref<2048x1xf32, #tpu.memory_space<vmem>>, vector<2048x1xf32>,
      %get3A_118 = arith.constant 0 : index
      %get3A_119 = arith.constant 0 : index
      %get3A_120 = vector.load %arg3[%get3A_118, %get3A_119] : memref<2048x1xi32, #tpu.memory_space<vmem>>, vector<2048x1xi32>
      %select_n3A_121 = arith.select %gt3A_111, %select_n3A_98, %get3A_120 : vector<2048x1xi1>, vector<2048x1xi32>
      %swap3A_122 = arith.constant 0 : index
      %swap3A_123 = arith.constant 0 : index
      %swap3A_124 = vector.load %arg3[%swap3A_122, %swap3A_123] : memref<2048x1xi32, #tpu.memory_space<vmem>>, vector<2048x1xi32>
      tpu.vector_store %arg3[%swap3A_122, %swap3A_123], %select_n3A_121 {strides = array<i32>} : memref<2048x1xi32, #tpu.memory_space<vmem>>, vector<2048x1xi32>,
    } else {
    }
    return
  }
  func.func @transform_0(%arg0: i32) -> (i32, i32) {
    %c0_i32 = arith.constant 0 : i32
    %c0_i32_0 = arith.constant 0 : i32
    %c0_i32_1 = arith.constant 0 : i32
    return %c0_i32, %c0_i32_0 : i32, i32
  }
  func.func @transform_1(%arg0: i32) -> (i32, i32) {
    %c0_i32 = arith.constant 0 : i32
    %c0_i32_0 = arith.constant 0 : i32
    return %arg0, %c0_i32 : i32, i32
  }
  func.func @transform_2(%arg0: i32) -> (i32, i32) {
    %c0_i32 = arith.constant 0 : i32
    %c0_i32_0 = arith.constant 0 : i32
    %c0_i32_1 = arith.constant 0 : i32
    return %c0_i32, %c0_i32_0 : i32, i32
  }
}

</mosaic_0001>

<sc_bundles>
// kernel: kernel.4.cloned.1.call-start
scs
__scs_entry_jumppad:
0x0: {  	(pc) =	sbr.rel $0x88, $3  }
0x1: {  	(tag) =	ssettag $0x0;
	lr =	simm.s32 $0x1  }
0x2: {  	[smem:$0x3F9E] =	sst lr;
	_ =	strace $0xD0000000  }
0x3: {  	_ = 	snop  }
0x4: {  	_ = 	snop  }
0x5: {  	_ = 	snop  }
0x6: {  	_ = 	snop  }
0x7: {  	_ = 	snop  }
__scs_overlays_trampoline_lowered:
0x8: {  	[smem:$0x3FAD] =	sst s0  }
0x9: {  	[smem:$0x3FAE] =	sst s1  }
0xa: {  	[smem:$0x3FAF] =	sst s2  }
0xb: {  	[smem:$0x3FB0] =	sst s3  }
0xc: {  	[smem:$0x3FB1] =	sst s4  }
0xd: {  	[smem:$0x3FB2] =	sst s5  }
0xe: {  	[smem:$0x3FB3] =	sst s6  }
0xf: {  	[smem:$0x3FB4] =	sst s7  }
0x10: {  	[smem:$0x3FB5] =	sst s8  }
0x11: {  	[smem:$0x3FB6] =	sst s9;
	s0 =	simm.s32 @!p0 $0x0  }
0x12: {  	s1 =	sld [smem:$0x3F9C];
	s0 =	simm.s32 @p0 $0x1  }
0x13: {  	[smem:$0x3FB7] =	sst s0;
	s0 =	simm.s32 @!p1 $0x0  }
0x14: {  	s2 =	sld [smem:$0x3F9B];
	s0 =	simm.s32 @p1 $0x1  }
0x15: {  	[smem:$0x3FB8] =	sst s0;
	s0 =	simm.s32 @!p2 $0x0  }
0x16: {  	s3 =	sld [smem:$0x3FDB];
	s0 =	simm.s32 @p2 $0x1  }
0x17: {  	s4 =	simm.s32 $0x1BF5;
	[smem:$0x3FBA] =	sst s0  }
0x18: {  	s0 =	sld [smem:$0x3F9D];
	_ =	swait.ge [sflag:s4], $0x0  }
0x19: {  	s7 =	sld [smem:$0x3F9E]  }
0x1a: {  	s8 =	sadd.s32 $0xFFFFE003, lr  }
0x1b: {  	s9 =	sadd.s32 $0xFFFFFEF7, lr;
	s5 =	simm.s32 $0xFFFFFFFF;
	p2 =	slt.u32 s8, $0xFFFFF086  }
0x1c: {  	p1 =	slt.u32 s9, $0xF7A;
	s5 =	simm.s32 @!p2 $0x0  }
0x1d: {  	s5 =	simm.s32 @p1 $0x1;
	p0 =	seq.s32 s7, s2  }
0x1e: {  	s7 =	smul.u32 @!p0 $0xF7A, s2;
	p2 =	seq.s32 @!p0 s5, $0x0  }
0x1f: {  	s9 =	smul.u32 $0xF7A, s1;
	s8 =	simm.s32 @!p0 $0x1BF5;
	p2 =	por !p2, p0  }
0x20: {  	[sflag:s8] =	ssyncset.s32 @!p0 $0xFFFFF086;
	s6 =	sadd.s32 @!p0 s3, s7;
	s7 =	simm.s32 @!p0 $0x108  }
0x21: {  	s3 =	sadd.s32 s3, s9;
	s6 =	sadd.s32 @!p0 $0x88, s6;
	s7 =	simm.s32 @p2 $0x1082  }
0x22: {  	[simem:s7], [sflag:s8] =	dma.local @!p0 [hbm:s6], $0xF7A  }
0x23: {  	s9 =	sor.u32 $0xD0000000, s2;
	s6 =	simm.s32 $0x108;
	_ =	swait.ge @!p0 [sflag:s8], $0x0  }
0x24: {  	s3 =	sadd.s32 $0x88, s3;
	s6 =	simm.s32 @!p1 $0x1082;
	[sflag:s4] =	ssyncset.s32 $0xFFFFF086  }
0x25: {  	[simem:s6], [sflag:s4] =	dma.local [hbm:s3], $0xF7A  }
0x26: {  	[smem:$0x3F9E] =	sst s1;
	(tag) =	ssettag s2;
	_ =	strace s9  }
0x27: {  	s1 =	sld [smem:$0x3FAE]  }
0x28: {  	s2 =	sld [smem:$0x3FAF]  }
0x29: {  	s4 =	sld [smem:$0x3FB1]  }
0x2a: {  	p0 =	seq.s32 s5, $0x0;
	s5 =	sld [smem:$0x3FB2]  }
0x2b: {  	s6 =	sld [smem:$0x3FB3]  }
0x2c: {  	s7 =	sld [smem:$0x3FB4]  }
0x2d: {  	s3 =	simm.s32 $0x108;
	s8 =	sld [smem:$0x3FB5]  }
0x2e: {  	s3 =	simm.s32 @!p0 $0x1082;
	s9 =	sld [smem:$0x3FB6]  }
0x2f: {  	lr =	sadd.s32 s0, s3;
	s0 =	sld [smem:$0x3FAD]  }
0x30: {  	s3 =	sld [smem:$0x3FB0]  }
0x31: {  	[smem:$0x3FB9] =	sst s10  }
0x32: {  	s10 =	sld [smem:$0x3FB7];
	_ =	sdelay $0x3  }
0x33: {  	p0 =	seq.s32 s10, $0x1;
	s10 =	sld [smem:$0x3FB9];
	_ =	sdelay $0x3  }
0x34: {  	[smem:$0x3FB9] =	sst s10  }
0x35: {  	s10 =	sld [smem:$0x3FB8];
	_ =	sdelay $0x3  }
0x36: {  	p1 =	seq.s32 s10, $0x1;
	s10 =	sld [smem:$0x3FB9];
	_ =	sdelay $0x3  }
0x37: {  	[smem:$0x3FB9] =	sst s10  }
0x38: {  	s10 =	sld [smem:$0x3FBA]  }
0x39: {  	_ = 	snop;
	(pc) =	sbr.ind lr, $3  }
0x3a: {  	_ = 	snop  }
0x3b: {  	_ = 	snop  }
0x3c: {  	p2 =	seq.s32 s10, $0x1;
	s10 =	sld [smem:$0x3FB9]  }
0x3d: {  	_ =	shalt  }
0x3e: {  	_ =	shalt  }
0x3f: {  	_ =	shalt  }
0x40: {  	_ =	shalt  }
0x41: {  	_ =	shalt  }
0x42: {  	_ =	shalt  }
0x43: {  	_ =	shalt  }
0x44: {  	_ =	shalt  }
0x45: {  	_ =	shalt  }
0x46: {  	_ =	shalt  }
0x47: {  	_ =	shalt  }
0x48: {  	_ =	shalt  }
0x49: {  	_ =	shalt  }
0x4a: {  	_ =	shalt  }
0x4b: {  	_ =	shalt  }
0x4c: {  	_ =	shalt  }
0x4d: {  	_ =	shalt  }
0x4e: {  	_ =	shalt  }
0x4f: {  	_ =	shalt  }
0x50: {  	_ =	shalt  }
0x51: {  	_ =	shalt  }
0x52: {  	_ =	shalt  }
0x53: {  	_ =	shalt  }
0x54: {  	_ =	shalt  }
0x55: {  	_ =	shalt  }
0x56: {  	_ =	shalt  }
0x57: {  	_ =	shalt  }
0x58: {  	_ =	shalt  }
0x59: {  	_ =	shalt  }
0x5a: {  	_ =	shalt  }
0x5b: {  	_ =	shalt  }
0x5c: {  	_ =	shalt  }
0x5d: {  	_ =	shalt  }
0x5e: {  	_ =	shalt  }
0x5f: {  	_ =	shalt  }
0x60: {  	_ =	shalt  }
0x61: {  	_ =	shalt  }
0x62: {  	_ =	shalt  }
0x63: {  	_ =	shalt  }
0x64: {  	_ =	shalt  }
0x65: {  	_ =	shalt  }
0x66: {  	_ =	shalt  }
0x67: {  	_ =	shalt  }
0x68: {  	_ =	shalt  }
0x69: {  	_ =	shalt  }
0x6a: {  	_ =	shalt  }
0x6b: {  	_ =	shalt  }
0x6c: {  	_ =	shalt  }
0x6d: {  	_ =	shalt  }
0x6e: {  	_ =	shalt  }
0x6f: {  	_ =	shalt  }
0x70: {  	_ =	shalt  }
0x71: {  	_ =	shalt  }
0x72: {  	_ =	shalt  }
0x73: {  	_ =	shalt  }
0x74: {  	_ =	shalt  }
0x75: {  	_ =	shalt  }
0x76: {  	_ =	shalt  }
0x77: {  	_ =	shalt  }
0x78: {  	_ =	shalt  }
0x79: {  	_ =	shalt  }
0x7a: {  	_ =	shalt  }
0x7b: {  	_ =	shalt  }
0x7c: {  	_ =	shalt  }
0x7d: {  	_ =	shalt  }
0x7e: {  	_ =	shalt  }
0x7f: {  	_ =	shalt  }
0x80: {  	_ =	shalt  }
0x81: {  	_ =	shalt  }
0x82: {  	_ =	shalt  }
0x83: {  	_ =	shalt  }
0x84: {  	_ =	shalt  }
0x85: {  	_ =	shalt  }
0x86: {  	_ =	shalt  }
0x87: {  	_ =	shalt  }
.Lfunc_end0:
.L_simem_size_0:
called_computation_lowered:
.L_overlay_start_0:
0x88: {  	s2 =	sld [smem:$0x3FD9]  }
0x89: {  	s3 =	sld [smem:$0x3FFE];
	_ =	sdelay $0x1  }
0x8a: {  	s1 =	srdreg.scid  }
0x8b: {  	s0 =	sand.u32 $0x1, s1  }
0x8c: {  	s14 =	sshll.u32 s0, $0xA;
	s2 =	sadd.s32 s3, s2  }
0x8d: {  	s2 =	sadd.s32 s2, s14  }
0x8e: {  	[smem:$0x3FC5] =	sst s2  }
0x8f: {  	_ = 	snop  }
0x90: {  	s2 =	sld [smem:$0x3FD0];
	_ =	sdelay $0x2  }
0x91: {  	s15 =	simm.s32 $0xA;
	s4 =	simm.s32 $0x10  }
0x92: {  	[smem:s4], [sflag:s15] =	dma.local [hbm:s2], $0x1  }
0x93: {  	_ =	swait.eq [sflag:s15], $0x1  }
0x94: {  	[sflag:s15] =	ssyncset.done $0x0  }
0x95: {  	s16 =	sld [smem:$0x10];
	[sflag:s15] =	ssyncadd.s32 $0xFFFFFFFF  }
0x96: {  	s17 =	sld [smem:$0x11];
	(tm) =	ssettm $0x1  }
0x97: {  	s18 =	sld [smem:$0x3FFB];
	_ =	sdelay $0x3  }
0x98: {  	_ =	strace s18  }
0x99: {  	s4 =	sld [smem:$0x3FFC];
	_ =	sdelay $0x3  }
0x9a: {  	_ =	strace s4  }
0x9b: {  	s4 =	sld [smem:$0x3FFD];
	_ =	sdelay $0x3  }
0x9c: {  	_ =	strace s4  }
0x9d: {  	_ =	strace $0x8FFFFFFF  }
0x9e: {  	s19 =	sld [smem:$0x3FDB];
	_ =	sdelay $0x1  }
0x9f: {  	s5 =	simm.s32 $_scs_section_size  }
0xa0: {  	s6 =	simm.s32 $_size__tile_overlayer_lowered;
	s7 =	simm.s32 $_tile_overlayer_lowered  }
0xa1: {  	s22 =	simm.s32 $0x1BFF;
	s21 =	sshll.u32 s7, $0x1;
	s4 =	sadd.s32 s5, s19  }
0xa2: {  	s8 =	simm.s32 $0x0;
	s20 =	sshll.u32 s6, $0x1;
	s6 =	sadd.s32 s21, s4  }
0xa3: {  	[timem:s8], [sflag:s22] =	dma.local [hbm:s6], s20  }
0xa4: {  	_ =	swait.ge [sflag:s22], s20  }
0xa5: {  	s5 =	ssub.s32 $0x0, s20;
	[sflag:s22] =	ssyncset.done $0x0  }
0xa6: {  	[sflag:s22] =	ssyncadd.s32 s5;
	_ =	sdelay $0x1  }
0xa7: {  	s23 =	simm.s32 $0x1B8B  }
0xa8: {  	_ =	swait.ge [sflag:s23], $0x1  }
0xa9: {  	[sflag:s23] =	ssyncset.done $0x0  }
0xaa: {  	s25 =	simm.s32 $0x1B8E;
	s24 =	sld [smem:$0x3FFE];
	[sflag:s23] =	ssyncadd.s32 $0xFFFFFFFF  }
0xab: {  	s26 =	simm.s32 $execute0_lowered;
	[smem:$0x3FD2] =	sst s25  }
0xac: {  	s6 =	sshll.u32 s26, $0x1;
	_ =	strace $0x80000046;
	[dreg:$0x1] =	wrdreg $0xFFFFFFFF  }
0xad: {  	s28 =	simm.s32 $_size_execute0_lowered;
	s4 =	sadd.s32 s4, s6;
	[dreg:$0x0] =	wrdreg $0x0  }
0xae: {  	s6 =	sshll.u32 s28, $0x1;
	[dreg:$0x2] =	wrdreg s4  }
0xaf: {  	[dreg:$0x3] =	wrdreg s6  }
0xb0: {  	[dreg:$0x4] =	wrdreg $0xC0  }
0xb1: {  	_ =	task [dreg:s8], $0x5FFFF  }
0xb2: {  	[dreg:$0x1] =	wrdreg $0xFFFFFFFF  }
0xb3: {  	[dreg:$0x0] =	wrdreg $0x60  }
0xb4: {  	[dreg:$0x2] =	wrdreg s24  }
0xb5: {  	[dreg:$0x3] =	wrdreg s17  }
0xb6: {  	[dreg:$0x4] =	wrdreg s16  }
0xb7: {  	[dreg:$0x5] =	wrdreg $0x9  }
0xb8: {  	_ =	task.clear_ibuf [dreg:s8], $0x6FFFF;
	_ =	strace $0x90000046  }
0xb9: {  	s29 =	simm.s32 $0x9;
	_ =	strace $0x80000048  }
0xba: {  	_ =	swait.ge [sflag:s29], $0x1  }
0xbb: {  	[sflag:s29] =	ssyncadd.s32 $0xFFFFFFFF  }
0xbc: {  	_ =	strace $0x90000048  }
0xbd: {  	_ =	sfence  }
0xbe: {  	s30 =	sld [smem:$0x0];
	_ =	sdelay $0x2  }
0xbf: {  	s31 =	sshll.u32 s1, $0xD;
	s1 =	sshrl.u32 s1, $0x2  }
0xc0: {  	s3 =	sand.u32 $0x4000, s31;
	s1 =	sadd.s32 s1, s30  }
0xc1: {  	s0 =	sor.u32 s3, s0;
	s1 =	sshll.u32 s1, $0x11  }
0xc2: {  	s0 =	sor.u32 s1, s0  }
0xc3: {  	s0 =	sadd.s32 $0x8F2B, s0  }
0xc4: {  	[sflag:s0] =	ssyncadd.remote.s32 $0x1  }
0xc5: {  	_ =	sfence.sel $0xFFFF  }
0xc6: {  	[dreg:$0x0] =	wrdreg $0xFFFFFFFF;
	(pc) =	sbr.abs _section_cstart, $3  }
0xc7: {  	[dreg:$0x1] =	wrdreg $0xFFFFFFFF  }
0xc8: {  	_ =	task.clear_ibuf [dreg:s8], $0x2FFFF;
	_ =	strace $0x9FFFFFFF  }
0xc9: {  	(tm) =	ssettm $0x7FFFFFFF  }
tec
execute0_lowered:
.L_overlay_start_1:
0x0: {  	(tag) =	ssettag $0x1  }
0x1: {  	s3 =	rddreg [dreg:$0x0]  }
0x2: {  	s4 =	rddreg [dreg:$0x1]  }
0x3: {  	s5 =	rddreg [dreg:$0x2]  }
0x4: {  	s0 =	rddreg [dreg:$0x3]  }
0x5: {  	s2 =	simm.s32 $0x0;
	s6 =	srdreg.scid;
	s1 =	stileid.u32  }
0x6: {  	s10 =	simm.s32 $0x100;
	s11 =	simm.s32 $0x1;
	s12 =	simm.s32 $0x2100  }
0x7: {  	s13 =	simm.s32 $0x0;
	[smem:$0x7FF] =	sst s2;
	s6 =	sand.u32 $0x1, s6  }
0x8: {  	s7 =	sshll.u32 s1, $0x1;
	s3 =	sadd.s32 $0x200600, s3;
	s8 =	ssub.s32 $0x2, s6  }
0x9: {  	_ =	strace $0x80000047;
	s6 =	sor.u32 s6, s7;
	s31 =	sshrl.u32 s8, $0x1  }
0xa: {  	s9 =	sshll.u32 s6, $0x3;
	s6 =	sshll.u32 s6, $0x6;
	s7 =	ssub.s32 s8, s31  }
0xb: {  	v0 =	vlaneseq.u32;
	s4 =	sadd.s32 s4, s9;
	s5 =	sadd.s32 s5, s6;
	s8 =	simm.s32 $0x40  }
0xc: {  	v1 =	vand.u32 $0x7, v0;
	s9 =	simm.s32 $0x80;
	s6 =	smax.u32 s7, $0x1;
	s7 =	simm.s32 $0x2  }
.LBB2_1:
0xd: {  	[tilespmem:s2], [sflag:$0x2] =	stream.linear.gather [hbm4b:s4+s2], $0x40, $0x38;
	[tilespmem:$0x2300] =	vst v63  }
0xe: {  	_ =	swait.ge [sflag:s7], $0x40  }
0xf: {  	[sflag:s7] =	ssyncset.done $0x0  }
0x10: {  	[sflag:s7] =	ssyncadd.s32 $0xFFFFFFC0  }
0x11: {  	v2 =	vld [tilespmem:$0x0]  }
0x12: {  	v3 =	vld [tilespmem:$0x10]  }
0x13: {  	v4 =	vld [tilespmem:$0x20]  }
0x14: {  	v5 =	vld [tilespmem:$0x30];
	_ =	sdelay $0x1  }
0x15: {  	v2 =	vshra.s32 v2, $0x4  }
0x16: {  	[tilespmem:$0x80] =	vst v2;
	v2 =	vshra.s32 v3, $0x4  }
0x17: {  	[tilespmem:$0x90] =	vst v2;
	v2 =	vshra.s32 v4, $0x4  }
0x18: {  	v3 =	vor.u32 s2, v0;
	[tilespmem:$0xA0] =	vst v2;
	v2 =	vshra.s32 v5, $0x4  }
0x19: {  	[tilespmem:$0xB0] =	vst v2;
	v2 =	vshrl.u32 v3, $0x3  }
0x1a: {  	[tilespmem:s10], [sflag:$0x1] =	stream.indirect.gather [hbm4b:s3+s8], $0x80, s9, s8, $0xb8;
	[tilespmem:$0x2300] =	vst v63  }
0x1b: {  	_ =	swait.ge [sflag:s11], $0x2000  }
0x1c: {  	[sflag:s11] =	ssyncset.done $0x0  }
0x1d: {  	[sflag:s11] =	ssyncadd.s32 $0xFFFFE000  }
0x1e: {  	v3 =	vld.idx.msk [tilespmem:v2+s2+$0x0], $0xffff;
	_ =	sdelay $0x4  }
0x1f: {  	v3 =	vshll.u32 v3, $0x3  }
0x20: {  	v2 =	vshll.u32 v2, $0x7;
	v3 =	vand.u32 $0x78, v3  }
0x21: {  	v2 =	vor.u32 v2, v3  }
0x22: {  	v2 =	vor.u32 v1, v2;
	_ =	sdelay $0x3  }
0x23: {  	s14 =	simm.s32 $0x10  }
0x24: {  	v3 =	vor.u32 s14, v0;
	v2 =	vld.idx.msk [tilespmem:v2+s10+$0x0], $0xffff  }
0x25: {  	v3 =	vshrl.u32 v3, $0x3;
	_ =	sdelay $0x3  }
0x26: {  	[tilespmem:s12+$0x0] =	vst v2  }
0x27: {  	v2 =	vld.idx.msk [tilespmem:v3+s2+$0x0], $0xffff;
	_ =	sdelay $0x4  }
0x28: {  	v2 =	vshll.u32 v2, $0x3  }
0x29: {  	v3 =	vshll.u32 v3, $0x7;
	v2 =	vand.u32 $0x78, v2  }
0x2a: {  	v2 =	vor.u32 v3, v2  }
0x2b: {  	v2 =	vor.u32 v1, v2;
	_ =	sdelay $0x3  }
0x2c: {  	s31 =	simm.s32 $0x20  }
0x2d: {  	s15 =	simm.s32 $0x30;
	s14 =	simm.s32 $0x2100;
	v3 =	vor.u32 s31, v0;
	v2 =	vld.idx.msk [tilespmem:v2+s10+$0x0], $0xffff  }
.LBB2_2:
0x2e: {  	p0 =	sne.s32 s15, $0x1F0;
	v3 =	vshrl.u32 v3, $0x3;
	_ =	sdelay $0x2  }
0x2f: {  	s14 =	sadd.s32 $0x10, s14  }
0x30: {  	[tilespmem:s14+$0x0] =	vst v2  }
0x31: {  	v2 =	vld.idx.msk [tilespmem:v3+s2+$0x0], $0xffff;
	_ =	sdelay $0x5  }
0x32: {  	v2 =	vshll.u32 v2, $0x3  }
0x33: {  	v3 =	vshll.u32 v3, $0x7;
	v2 =	vand.u32 $0x78, v2  }
0x34: {  	v2 =	vor.u32 v3, v2  }
0x35: {  	v2 =	vor.u32 v1, v2;
	_ =	sdelay $0x1  }
.Ltmp0:
0x36: {  	(pc) =	sbr.rel @p0 .LBB2_2-.Ltmp0, $3  }
0x37: {  	_ =	sdelay $0x1  }
0x38: {  	v2 =	vld.idx.msk [tilespmem:v2+s10+$0x0], $0xffff  }
0x39: {  	v3 =	vor.u32 s15, v0;
	s15 =	sadd.s32 $0x10, s15  }
0x3a: {  	v3 =	vshrl.u32 v3, $0x3;
	_ =	sdelay $0x2  }
0x3b: {  	s14 =	sadd.s32 $0x10, s14  }
0x3c: {  	[tilespmem:s14+$0x0] =	vst v2  }
0x3d: {  	v2 =	vld.idx.msk [tilespmem:v3+s2+$0x0], $0xffff;
	_ =	sdelay $0x4  }
0x3e: {  	v2 =	vshll.u32 v2, $0x3  }
0x3f: {  	v3 =	vshll.u32 v3, $0x7;
	v2 =	vand.u32 $0x78, v2  }
0x40: {  	v2 =	vor.u32 v3, v2  }
0x41: {  	v2 =	vor.u32 v1, v2;
	_ =	sdelay $0x4  }
0x42: {  	v2 =	vld.idx.msk [tilespmem:v2+s10+$0x0], $0xffff;
	_ =	sdelay $0x2  }
0x43: {  	s13 =	sadd.s32 $0x1, s13  }
0x44: {  	p0 =	sne.s32 s13, s6;
	s14 =	sadd.s32 $0x10, s14  }
.Ltmp1:
0x45: {  	[tilespmem:s14+$0x0] =	vst v2;
	(pc) =	sbr.rel @p0 .LBB2_1-.Ltmp1, $4  }
0x46: {  	[hbm4b:s5+s2] =	stream.linear.scatter [tilespmem:s12], [sflag:$0x2], $0x200, $0x38;
	[tilespmem:$0x2300] =	vst v63  }
0x47: {  	_ =	swait.ge [sflag:s7], $0x200  }
0x48: {  	[sflag:s7] =	ssyncset.done $0x0  }
0x49: {  	[sflag:s7] =	ssyncadd.s32 $0xFFFFFE00  }
0x4a: {  	_ =	sfence.sel $0x180000  }
0x4b: {  	[bflag:$0x0] =	sbarrier.arrive $0xFFFF  }
0x4c: {  	p0 =	sne.s32 s1, $0x0;
	_ =	strace $0x90000047  }
0x4d: {  	s0 =	sadd.s32 @!p0 $0x100000, s0;
	[bflag:$0x2] =	sbarrier.arrive $0xFFFF  }
0x4e: {  	[sflag:s0] =	ssyncadd.tile.s32 @!p0 $0x1;
	_ =	shalt  }
.Lfunc_end2:
_tile_overlayer_lowered:
.L_overlay_start_2:
0x4f: {  	(tag) =	ssettag $0x2  }
0x50: {  	s0 =	rddreg [dreg:$0x0];
	s2 =	stileid.u32  }
0x51: {  	s1 =	rddreg [dreg:$0x1];
	p0 =	sne.s32 s2, $0x0  }
0x52: {  	s3 =	rddreg [dreg:$0x2];
	[bflag:$0x3] =	sbarrier.arrive $0xFFFF;
	s2 =	simm.s32 @!p0 $0x1C02  }
0x53: {  	[timem:s3], [sflag:s2] =	dma.local @!p0 [hbm:s0], s1  }
0x54: {  	s0 =	simm.s32 @!p0 $0x2  }
0x55: {  	_ =	swait.ge @!p0 [sflag:s0], s1  }
0x56: {  	s1 =	ssub.s32 @!p0 $0x0, s1;
	[sflag:s0] =	ssyncset.done @!p0 $0x0  }
0x57: {  	[sflag:s0] =	ssyncadd.s32 @!p0 s1  }
0x58: {  	[bflag:$0x3] =	sbarrier.arrive $0xFFFF  }
0x59: {  	_ =	shalt  }

</sc_bundles>
